<compile_context>
chip_gen: v7x
topology: tpu7x:2x2x1
jax: 0.10.2.dev20260603
libtpu: 0.0.44.dev20260713+nightly
codegen_flags: <defaults>
</compile_context>

<pallas_src>
import jax
import jax.numpy as jnp
from jax import lax
from jax.experimental import pallas as pl
from jax.experimental.pallas import tpu as pltpu
from jax.experimental.pallas import tpu_sc as plsc

T = 40
NB = 13
ROWS = T + 8
OUT_LEN = 2097152
LAST_J0 = 4096 - T


def _oadd_body(x_hbm, out_hbm, buf, acc):
    wid = lax.axis_index("c") * 16 + lax.axis_index("s")
    b = wid >> 3
    s = wid & 7

    def block(i, carry):
        t = s * NB + i
        j0 = jnp.minimum(3 + T * t, LAST_J0)
        a0 = pl.multiple_of((j0 - 3) & ~7, 8)
        d = (j0 - 3) & 7
        pltpu.sync_copy(x_hbm.at[b, pl.ds(a0, ROWS), :], buf)

        def add_chunk(g, c2):
            i2 = g >> 5
            c = (g & 31) * 16
            r = d + i2
            v = (
                buf[r + 3, pl.ds(c, 16)]
                + buf[r + 2, pl.ds(512 + c, 16)]
                + buf[r + 1, pl.ds(1024 + c, 16)]
                + buf[r, pl.ds(1536 + c, 16)]
            )
            acc[pl.ds(g * 16, 16)] = v * 0.25
            return c2

        lax.fori_loop(0, T * 32, add_chunk, 0)
        pltpu.sync_copy(acc, out_hbm.at[b, 0, pl.ds(512 * j0 - 768, 512 * T)])
        return carry

    lax.fori_loop(0, NB, block, 0)

    @pl.when(s == 0)
    def _start_edge():
        pltpu.sync_copy(x_hbm.at[b, pl.ds(0, 8), :], buf.at[pl.ds(0, 8), :])

        def e1(g, c2):
            c = g * 16
            acc[pl.ds(c, 16)] = (
                buf[1, pl.ds(256 + c, 16)] + buf[0, pl.ds(768 + c, 16)]
            ) * 0.5
            return c2

        lax.fori_loop(0, 16, e1, 0)

        def e2(g, c2):
            c = g * 16
            acc[pl.ds(256 + c, 16)] = (
                buf[2, pl.ds(c, 16)]
                + buf[1, pl.ds(512 + c, 16)]
                + buf[0, pl.ds(1024 + c, 16)]
            ) / 3.0
            return c2

        lax.fori_loop(0, 32, e2, 0)
        pltpu.sync_copy(acc.at[pl.ds(0, 768)], out_hbm.at[b, 0, pl.ds(0, 768)])

    @pl.when(s == 7)
    def _end_edge():
        pltpu.sync_copy(x_hbm.at[b, pl.ds(4088, 8), :], buf.at[pl.ds(0, 8), :])

        def e3(g, c2):
            c = g * 16
            acc[pl.ds(c, 16)] = (
                buf[7, pl.ds(512 + c, 16)]
                + buf[6, pl.ds(1024 + c, 16)]
                + buf[5, pl.ds(1536 + c, 16)]
            ) / 3.0
            return c2

        lax.fori_loop(0, 32, e3, 0)

        def e4(g, c2):
            c = g * 16
            acc[pl.ds(512 + c, 16)] = (
                buf[7, pl.ds(1024 + c, 16)] + buf[6, pl.ds(1536 + c, 16)]
            ) * 0.5
            return c2

        lax.fori_loop(0, 16, e4, 0)
        pltpu.sync_copy(
            acc.at[pl.ds(0, 768)], out_hbm.at[b, 0, pl.ds(OUT_LEN - 768, 768)]
        )


@jax.jit
def kernel(x):
    mesh = plsc.VectorSubcoreMesh(core_axis_name="c", subcore_axis_name="s")
    run = pl.kernel(
        _oadd_body,
        out_type=jax.ShapeDtypeStruct((4, 1, OUT_LEN), jnp.float32),
        mesh=mesh,
        scratch_types=[
            pltpu.VMEM((ROWS, 2048), jnp.float32),
            pltpu.VMEM((T * 512,), jnp.float32),
        ],
    )
    return run(x).reshape(4, OUT_LEN)

# --- scband reference (transcript-rebuilt; emitter-appended) ---
"""Pipeline reference for scband-batch-get-music-unchunk-1322849927770 (READ-ONLY COPY).

The authoritative reference and input builder live on the scoring server;
editing this copy changes nothing except your own understanding.
"""

import jax, jax.numpy as jnp
import numpy as np

FRAME_LENGTH = 2048
HOP_LENGTH = 512
PAD0 = (FRAME_LENGTH - HOP_LENGTH) // 2
PAD1 = (FRAME_LENGTH - HOP_LENGTH + 1) // 2


def setup_inputs(seed: int = 0) -> dict:
    key = jax.random.key(seed)
    x = jax.random.normal(key, (4, 4096, 2048), dtype=jnp.float32)
    return {"x": x}


def reference(x):
    # MFC path: frame_length - 2*(frame_length - hop_length) < 0 for (2048, 512),
    # so no triangular cross-fade weights; plain scatter-add overlap-add followed
    # by division by the per-sample overlap count, then trim the reflection pads.
    BV, FV, _ = x.shape
    L = FV * HOP_LENGTH + PAD0 + PAD1
    hop_offsets = jnp.arange(0, HOP_LENGTH * FV, HOP_LENGTH)
    FB = (jnp.arange(FRAME_LENGTH)[None, :] + hop_offsets[:, None]).reshape(-1)
    yp = x.reshape(BV, -1)
    outsc = jnp.zeros((BV, L), dtype=x.dtype).at[:, FB].add(yp)
    spx = jnp.zeros((L,), dtype=x.dtype).at[FB].add(jnp.ones((FV * FRAME_LENGTH,), dtype=x.dtype))
    spx = jnp.clip(spx, 1.0, None)
    outsc = outsc / spx[None, :]
    # negative padding == trimming PAD0 from the left and PAD1 from the right
    return outsc[:, PAD0:L - PAD1]

if __name__ == "__main__":
    import jax
    _d = setup_inputs()
    print(jax.jit(kernel)(*tuple(_d.values())))

</pallas_src>

<mosaic_0001>
#map = affine_map<(d0, d1) -> (0, 0, 0)>
module attributes {stable_mosaic.version = 14 : i64} {
  func.func @_oadd_body(%arg0: i32, %arg1: i32, %arg2: memref<4x4096x2048xf32, #tpu.memory_space<hbm>>, %arg3: memref<4x1x2097152xf32, #tpu.memory_space<hbm>>, %arg4: memref<48x2048xf32, #tpu.memory_space<vmem>>, %arg5: memref<20480xf32, #tpu.memory_space<vmem>>) attributes {dimension_semantics = [#tpu.dimension_semantics<core_parallel>, #tpu.dimension_semantics<subcore_parallel>], iteration_bounds = array<i64: 2, 16>, scalar_prefetch = 0 : i64, scratch_operands = 2 : i64, tpu.core_type = #tpu.core_type<sc_vector_subcore>, window_params = [{transform_indices = #map}, {transform_indices = #map}]} {
    %mul3A = arith.constant 16 : i32
    %mul3A_0 = arith.muli %arg0, %mul3A : i32
    %add3A = arith.addi %mul3A_0, %arg1 : i32
    %shift_right_arithmetic3A = arith.constant 3 : i32
    %shift_right_arithmetic3A_1 = arith.shrsi %add3A, %shift_right_arithmetic3A : i32
    %and3A = arith.constant 7 : i32
    %and3A_2 = arith.andi %add3A, %and3A : i32
    %scan3A = arith.constant 0 : i32
    %scan3A_3 = arith.constant 0 : i32
    %scan3A_4 = arith.constant 13 : i32
    %scan3A_5 = arith.addi %scan3A_3, %scan3A_4 : i32
    %scan3A_6 = arith.constant 1 : i32
    scf.for %scan3A_15 = %scan3A_3 to %scan3A_5 step %scan3A_6  : i32 {
      %mul3A_16 = arith.constant 13 : i32
      %mul3A_17 = arith.muli %and3A_2, %mul3A_16 : i32
      %add3A_18 = arith.addi %mul3A_17, %scan3A_15 : i32
      %mul3A_19 = arith.constant 40 : i32
      %mul3A_20 = arith.muli %mul3A_19, %add3A_18 : i32
      %add3A_21 = arith.constant 3 : i32
      %add3A_22 = arith.addi %add3A_21, %mul3A_20 : i32
      %min3A = arith.constant 4056 : i32
      %min3A_23 = arith.minsi %add3A_22, %min3A : i32
      %sub3A = arith.constant 3 : i32
      %sub3A_24 = arith.subi %min3A_23, %sub3A : i32
      %and3A_25 = arith.constant -8 : i32
      %and3A_26 = arith.andi %sub3A_24, %and3A_25 : i32
      %multiple_of3A = tpu.assume_multiple %and3A_26, 8 : i32
      %sub3A_27 = arith.constant 3 : i32
      %sub3A_28 = arith.subi %min3A_23, %sub3A_27 : i32
      %and3A_29 = arith.constant 7 : i32
      %and3A_30 = arith.andi %sub3A_28, %and3A_29 : i32
      "tpu.region"() ({
        %run_scoped3A_41 = tpu.sem_alloc : memref<!tpu.dma_semaphore, #tpu.memory_space<semaphore_mem>>
        %dma_start3A = arith.constant 0 : i32
        %dma_start3A_42 = tpu.memref_slice %arg2[%shift_right_arithmetic3A_1, %multiple_of3A, %dma_start3A] : memref<4x4096x2048xf32, #tpu.memory_space<hbm>> -> memref<1x48x2048xf32, #tpu.memory_space<hbm>>
        %dma_start3A_43 = tpu.memref_squeeze %dma_start3A_42 : memref<1x48x2048xf32, #tpu.memory_space<hbm>> -> memref<48x2048xf32, #tpu.memory_space<hbm>>
        %dma_start3A_44 = arith.constant 0 : i32
        %dma_start3A_45 = tpu.memref_slice %arg2[%shift_right_arithmetic3A_1, %multiple_of3A, %dma_start3A_44] : memref<4x4096x2048xf32, #tpu.memory_space<hbm>> -> memref<1x48x2048xf32, #tpu.memory_space<hbm>>
        %dma_start3A_46 = tpu.memref_squeeze %dma_start3A_45 : memref<1x48x2048xf32, #tpu.memory_space<hbm>> -> memref<48x2048xf32, #tpu.memory_space<hbm>>
        tpu.enqueue_dma source(%dma_start3A_46 : memref<48x2048xf32, #tpu.memory_space<hbm>>) target(%arg4 : memref<48x2048xf32, #tpu.memory_space<vmem>>) target_semaphore(%run_scoped3A_41 : memref<!tpu.dma_semaphore, #tpu.memory_space<semaphore_mem>>)
        %dma_wait3A = arith.constant 0 : i32
        %dma_wait3A_47 = tpu.memref_slice %arg2[%shift_right_arithmetic3A_1, %multiple_of3A, %dma_wait3A] : memref<4x4096x2048xf32, #tpu.memory_space<hbm>> -> memref<1x48x2048xf32, #tpu.memory_space<hbm>>
        %dma_wait3A_48 = tpu.memref_squeeze %dma_wait3A_47 : memref<1x48x2048xf32, #tpu.memory_space<hbm>> -> memref<48x2048xf32, #tpu.memory_space<hbm>>
        %dma_wait3A_49 = arith.constant 0 : i32
        %dma_wait3A_50 = tpu.memref_slice %arg2[%shift_right_arithmetic3A_1, %multiple_of3A, %dma_wait3A_49] : memref<4x4096x2048xf32, #tpu.memory_space<hbm>> -> memref<1x48x2048xf32, #tpu.memory_space<hbm>>
        %dma_wait3A_51 = tpu.memref_squeeze %dma_wait3A_50 : memref<1x48x2048xf32, #tpu.memory_space<hbm>> -> memref<48x2048xf32, #tpu.memory_space<hbm>>
        tpu.wait_dma2 semaphore(%run_scoped3A_41 : memref<!tpu.dma_semaphore, #tpu.memory_space<semaphore_mem>>) src(%dma_wait3A_51 : memref<48x2048xf32, #tpu.memory_space<hbm>>) dst(%arg4 : memref<48x2048xf32, #tpu.memory_space<vmem>>)
        tpu.yield
      }) : () -> ()
      %scan3A_31 = arith.constant 0 : i32
      %scan3A_32 = arith.constant 0 : i32
      %scan3A_33 = arith.constant 1280 : i32
      %scan3A_34 = arith.addi %scan3A_32, %scan3A_33 : i32
      %scan3A_35 = arith.constant 1 : i32
      scf.for %scan3A_41 = %scan3A_32 to %scan3A_34 step %scan3A_35  : i32 {
        %shift_right_arithmetic3A_42 = arith.constant 5 : i32
        %shift_right_arithmetic3A_43 = arith.shrsi %scan3A_41, %shift_right_arithmetic3A_42 : i32
        %and3A_44 = arith.constant 31 : i32
        %and3A_45 = arith.andi %scan3A_41, %and3A_44 : i32
        %mul3A_46 = arith.constant 16 : i32
        %mul3A_47 = arith.muli %and3A_45, %mul3A_46 : i32
        %add3A_48 = arith.addi %and3A_30, %shift_right_arithmetic3A_43 : i32
        %add3A_49 = arith.constant 3 : i32
        %add3A_50 = arith.addi %add3A_48, %add3A_49 : i32
        %get3A = arith.index_cast %add3A_50 : i32 to index
        %get3A_51 = arith.index_cast %mul3A_47 : i32 to index
        %get3A_52 = tpu.vector_load %arg4[%get3A, %get3A_51] {strides = array<i32>} : memref<48x2048xf32, #tpu.memory_space<vmem>>, vector<1x16xf32>,
        %get3A_53 = vector.shape_cast %get3A_52 : vector<1x16xf32> to vector<16xf32>
        %add3A_54 = arith.constant 2 : i32
        %add3A_55 = arith.addi %add3A_48, %add3A_54 : i32
        %add3A_56 = arith.constant 512 : i32
        %add3A_57 = arith.addi %add3A_56, %mul3A_47 : i32
        %get3A_58 = arith.index_cast %add3A_55 : i32 to index
        %get3A_59 = arith.index_cast %add3A_57 : i32 to index
        %get3A_60 = tpu.vector_load %arg4[%get3A_58, %get3A_59] {strides = array<i32>} : memref<48x2048xf32, #tpu.memory_space<vmem>>, vector<1x16xf32>,
        %get3A_61 = vector.shape_cast %get3A_60 : vector<1x16xf32> to vector<16xf32>
        %add3A_62 = arith.addf %get3A_53, %get3A_61 : vector<16xf32>
        %add3A_63 = arith.constant 1 : i32
        %add3A_64 = arith.addi %add3A_48, %add3A_63 : i32
        %add3A_65 = arith.constant 1024 : i32
        %add3A_66 = arith.addi %add3A_65, %mul3A_47 : i32
        %get3A_67 = arith.index_cast %add3A_64 : i32 to index
        %get3A_68 = arith.index_cast %add3A_66 : i32 to index
        %get3A_69 = tpu.vector_load %arg4[%get3A_67, %get3A_68] {strides = array<i32>} : memref<48x2048xf32, #tpu.memory_space<vmem>>, vector<1x16xf32>,
        %get3A_70 = vector.shape_cast %get3A_69 : vector<1x16xf32> to vector<16xf32>
        %add3A_71 = arith.addf %add3A_62, %get3A_70 : vector<16xf32>
        %add3A_72 = arith.constant 1536 : i32
        %add3A_73 = arith.addi %add3A_72, %mul3A_47 : i32
        %get3A_74 = arith.index_cast %add3A_48 : i32 to index
        %get3A_75 = arith.index_cast %add3A_73 : i32 to index
        %get3A_76 = tpu.vector_load %arg4[%get3A_74, %get3A_75] {strides = array<i32>} : memref<48x2048xf32, #tpu.memory_space<vmem>>, vector<1x16xf32>,
        %get3A_77 = vector.shape_cast %get3A_76 : vector<1x16xf32> to vector<16xf32>
        %add3A_78 = arith.addf %add3A_71, %get3A_77 : vector<16xf32>
        %mul3A_79 = arith.constant 2.500000e-01 : f32
        %mul3A_80 = vector.broadcast %mul3A_79 : f32 to vector<16xf32>
        %mul3A_81 = arith.mulf %add3A_78, %mul3A_80 : vector<16xf32>
        %mul3A_82 = arith.constant 16 : i32
        %mul3A_83 = arith.muli %scan3A_41, %mul3A_82 : i32
        %swap3A = arith.index_cast %mul3A_83 : i32 to index
        %swap3A_84 = tpu.vector_load %arg5[%swap3A] {strides = array<i32>} : memref<20480xf32, #tpu.memory_space<vmem>>, vector<16xf32>,
        %swap3A_85 = vector.shape_cast %swap3A_84 : vector<16xf32> to vector<16xf32>
        %swap3A_86 = vector.shape_cast %mul3A_81 : vector<16xf32> to vector<16xf32>
        tpu.vector_store %arg5[%swap3A], %swap3A_86 {strides = array<i32>} : memref<20480xf32, #tpu.memory_space<vmem>>, vector<16xf32>,
      }
      %scan3A_36 = arith.constant 1280 : i32
      %mul3A_37 = arith.constant 512 : i32
      %mul3A_38 = arith.muli %mul3A_37, %min3A_23 : i32
      %sub3A_39 = arith.constant 768 : i32
      %sub3A_40 = arith.subi %mul3A_38, %sub3A_39 : i32
      %run_scoped3A = arith.constant 0 : i32
      "tpu.region"() ({
        %run_scoped3A_41 = tpu.sem_alloc : memref<!tpu.dma_semaphore, #tpu.memory_space<semaphore_mem>>
        %dma_start3A = tpu.memref_slice %arg3[%shift_right_arithmetic3A_1, %run_scoped3A, %sub3A_40] : memref<4x1x2097152xf32, #tpu.memory_space<hbm>> -> memref<1x1x20480xf32, #tpu.memory_space<hbm>>
        %dma_start3A_42 = tpu.memref_squeeze %dma_start3A : memref<1x1x20480xf32, #tpu.memory_space<hbm>> -> memref<20480xf32, #tpu.memory_space<hbm>>
        %dma_start3A_43 = tpu.memref_slice %arg3[%shift_right_arithmetic3A_1, %run_scoped3A, %sub3A_40] : memref<4x1x2097152xf32, #tpu.memory_space<hbm>> -> memref<1x1x20480xf32, #tpu.memory_space<hbm>>
        %dma_start3A_44 = tpu.memref_squeeze %dma_start3A_43 : memref<1x1x20480xf32, #tpu.memory_space<hbm>> -> memref<20480xf32, #tpu.memory_space<hbm>>
        tpu.enqueue_dma source(%arg5 : memref<20480xf32, #tpu.memory_space<vmem>>) target(%dma_start3A_44 : memref<20480xf32, #tpu.memory_space<hbm>>) target_semaphore(%run_scoped3A_41 : memref<!tpu.dma_semaphore, #tpu.memory_space<semaphore_mem>>)
        %dma_wait3A = tpu.memref_slice %arg3[%shift_right_arithmetic3A_1, %run_scoped3A, %sub3A_40] : memref<4x1x2097152xf32, #tpu.memory_space<hbm>> -> memref<1x1x20480xf32, #tpu.memory_space<hbm>>
        %dma_wait3A_45 = tpu.memref_squeeze %dma_wait3A : memref<1x1x20480xf32, #tpu.memory_space<hbm>> -> memref<20480xf32, #tpu.memory_space<hbm>>
        %dma_wait3A_46 = tpu.memref_slice %arg3[%shift_right_arithmetic3A_1, %run_scoped3A, %sub3A_40] : memref<4x1x2097152xf32, #tpu.memory_space<hbm>> -> memref<1x1x20480xf32, #tpu.memory_space<hbm>>
        %dma_wait3A_47 = tpu.memref_squeeze %dma_wait3A_46 : memref<1x1x20480xf32, #tpu.memory_space<hbm>> -> memref<20480xf32, #tpu.memory_space<hbm>>
        tpu.wait_dma2 semaphore(%run_scoped3A_41 : memref<!tpu.dma_semaphore, #tpu.memory_space<semaphore_mem>>) src(%arg5 : memref<20480xf32, #tpu.memory_space<vmem>>) dst(%dma_wait3A_47 : memref<20480xf32, #tpu.memory_space<hbm>>)
        tpu.yield
      }) : () -> ()
    }
    %scan3A_7 = arith.constant 13 : i32
    %eq3A = arith.constant 0 : i32
    %eq3A_8 = arith.cmpi eq, %and3A_2, %eq3A : i32
    %convert_element_type3A = arith.extui %eq3A_8 : i1 to i32
    %cond3A = arith.constant 0 : i32
    %cond3A_9 = arith.cmpi ne, %convert_element_type3A, %cond3A : i32
    scf.if %cond3A_9 {
      "tpu.region"() ({
        %run_scoped3A_27 = tpu.sem_alloc : memref<!tpu.dma_semaphore, #tpu.memory_space<semaphore_mem>>
        %dma_start3A = arith.constant 0 : i32
        %dma_start3A_28 = arith.constant 0 : i32
        %dma_start3A_29 = tpu.memref_slice %arg4[%dma_start3A, %dma_start3A_28] : memref<48x2048xf32, #tpu.memory_space<vmem>> -> memref<8x2048xf32, #tpu.memory_space<vmem>>
        %dma_start3A_30 = arith.constant 0 : i32
        %dma_start3A_31 = arith.constant 0 : i32
        %dma_start3A_32 = tpu.memref_slice %arg2[%shift_right_arithmetic3A_1, %dma_start3A_30, %dma_start3A_31] : memref<4x4096x2048xf32, #tpu.memory_space<hbm>> -> memref<1x8x2048xf32, #tpu.memory_space<hbm>>
        %dma_start3A_33 = tpu.memref_squeeze %dma_start3A_32 : memref<1x8x2048xf32, #tpu.memory_space<hbm>> -> memref<8x2048xf32, #tpu.memory_space<hbm>>
        %dma_start3A_34 = arith.constant 0 : i32
        %dma_start3A_35 = arith.constant 0 : i32
        %dma_start3A_36 = tpu.memref_slice %arg4[%dma_start3A_34, %dma_start3A_35] : memref<48x2048xf32, #tpu.memory_space<vmem>> -> memref<8x2048xf32, #tpu.memory_space<vmem>>
        %dma_start3A_37 = arith.constant 0 : i32
        %dma_start3A_38 = arith.constant 0 : i32
        %dma_start3A_39 = tpu.memref_slice %arg2[%shift_right_arithmetic3A_1, %dma_start3A_37, %dma_start3A_38] : memref<4x4096x2048xf32, #tpu.memory_space<hbm>> -> memref<1x8x2048xf32, #tpu.memory_space<hbm>>
        %dma_start3A_40 = tpu.memref_squeeze %dma_start3A_39 : memref<1x8x2048xf32, #tpu.memory_space<hbm>> -> memref<8x2048xf32, #tpu.memory_space<hbm>>
        tpu.enqueue_dma source(%dma_start3A_40 : memref<8x2048xf32, #tpu.memory_space<hbm>>) target(%dma_start3A_36 : memref<8x2048xf32, #tpu.memory_space<vmem>>) target_semaphore(%run_scoped3A_27 : memref<!tpu.dma_semaphore, #tpu.memory_space<semaphore_mem>>)
        %dma_wait3A = arith.constant 0 : i32
        %dma_wait3A_41 = arith.constant 0 : i32
        %dma_wait3A_42 = tpu.memref_slice %arg4[%dma_wait3A, %dma_wait3A_41] : memref<48x2048xf32, #tpu.memory_space<vmem>> -> memref<8x2048xf32, #tpu.memory_space<vmem>>
        %dma_wait3A_43 = arith.constant 0 : i32
        %dma_wait3A_44 = arith.constant 0 : i32
        %dma_wait3A_45 = tpu.memref_slice %arg2[%shift_right_arithmetic3A_1, %dma_wait3A_43, %dma_wait3A_44] : memref<4x4096x2048xf32, #tpu.memory_space<hbm>> -> memref<1x8x2048xf32, #tpu.memory_space<hbm>>
        %dma_wait3A_46 = tpu.memref_squeeze %dma_wait3A_45 : memref<1x8x2048xf32, #tpu.memory_space<hbm>> -> memref<8x2048xf32, #tpu.memory_space<hbm>>
        %dma_wait3A_47 = arith.constant 0 : i32
        %dma_wait3A_48 = arith.constant 0 : i32
        %dma_wait3A_49 = tpu.memref_slice %arg4[%dma_wait3A_47, %dma_wait3A_48] : memref<48x2048xf32, #tpu.memory_space<vmem>> -> memref<8x2048xf32, #tpu.memory_space<vmem>>
        %dma_wait3A_50 = arith.constant 0 : i32
        %dma_wait3A_51 = arith.constant 0 : i32
        %dma_wait3A_52 = tpu.memref_slice %arg2[%shift_right_arithmetic3A_1, %dma_wait3A_50, %dma_wait3A_51] : memref<4x4096x2048xf32, #tpu.memory_space<hbm>> -> memref<1x8x2048xf32, #tpu.memory_space<hbm>>
        %dma_wait3A_53 = tpu.memref_squeeze %dma_wait3A_52 : memref<1x8x2048xf32, #tpu.memory_space<hbm>> -> memref<8x2048xf32, #tpu.memory_space<hbm>>
        tpu.wait_dma2 semaphore(%run_scoped3A_27 : memref<!tpu.dma_semaphore, #tpu.memory_space<semaphore_mem>>) src(%dma_wait3A_53 : memref<8x2048xf32, #tpu.memory_space<hbm>>) dst(%dma_wait3A_49 : memref<8x2048xf32, #tpu.memory_space<vmem>>)
        tpu.yield
      }) : () -> ()
      %scan3A_15 = arith.constant 0 : i32
      %scan3A_16 = arith.constant 0 : i32
      %scan3A_17 = arith.constant 16 : i32
      %scan3A_18 = arith.addi %scan3A_16, %scan3A_17 : i32
      %scan3A_19 = arith.constant 1 : i32
      scf.for %scan3A_27 = %scan3A_16 to %scan3A_18 step %scan3A_19  : i32 {
        %mul3A_28 = arith.constant 16 : i32
        %mul3A_29 = arith.muli %scan3A_27, %mul3A_28 : i32
        %add3A_30 = arith.constant 256 : i32
        %add3A_31 = arith.addi %add3A_30, %mul3A_29 : i32
        %get3A = arith.constant 1 : i32
        %get3A_32 = arith.index_cast %get3A : i32 to index
        %get3A_33 = arith.index_cast %add3A_31 : i32 to index
        %get3A_34 = tpu.vector_load %arg4[%get3A_32, %get3A_33] {strides = array<i32>} : memref<48x2048xf32, #tpu.memory_space<vmem>>, vector<1x16xf32>,
        %get3A_35 = vector.shape_cast %get3A_34 : vector<1x16xf32> to vector<16xf32>
        %add3A_36 = arith.constant 768 : i32
        %add3A_37 = arith.addi %add3A_36, %mul3A_29 : i32
        %get3A_38 = arith.constant 0 : i32
        %get3A_39 = arith.index_cast %get3A_38 : i32 to index
        %get3A_40 = arith.index_cast %add3A_37 : i32 to index
        %get3A_41 = tpu.vector_load %arg4[%get3A_39, %get3A_40] {strides = array<i32>} : memref<48x2048xf32, #tpu.memory_space<vmem>>, vector<1x16xf32>,
        %get3A_42 = vector.shape_cast %get3A_41 : vector<1x16xf32> to vector<16xf32>
        %add3A_43 = arith.addf %get3A_35, %get3A_42 : vector<16xf32>
        %mul3A_44 = arith.constant 5.000000e-01 : f32
        %mul3A_45 = vector.broadcast %mul3A_44 : f32 to vector<16xf32>
        %mul3A_46 = arith.mulf %add3A_43, %mul3A_45 : vector<16xf32>
        %swap3A = arith.index_cast %mul3A_29 : i32 to index
        %swap3A_47 = tpu.vector_load %arg5[%swap3A] {strides = array<i32>} : memref<20480xf32, #tpu.memory_space<vmem>>, vector<16xf32>,
        %swap3A_48 = vector.shape_cast %swap3A_47 : vector<16xf32> to vector<16xf32>
        %swap3A_49 = vector.shape_cast %mul3A_46 : vector<16xf32> to vector<16xf32>
        tpu.vector_store %arg5[%swap3A], %swap3A_49 {strides = array<i32>} : memref<20480xf32, #tpu.memory_space<vmem>>, vector<16xf32>,
      }
      %scan3A_20 = arith.constant 16 : i32
      %scan3A_21 = arith.constant 0 : i32
      %scan3A_22 = arith.constant 0 : i32
      %scan3A_23 = arith.constant 32 : i32
      %scan3A_24 = arith.addi %scan3A_22, %scan3A_23 : i32
      %scan3A_25 = arith.constant 1 : i32
      scf.for %scan3A_27 = %scan3A_22 to %scan3A_24 step %scan3A_25  : i32 {
        %mul3A_28 = arith.constant 16 : i32
        %mul3A_29 = arith.muli %scan3A_27, %mul3A_28 : i32
        %get3A = arith.constant 2 : i32
        %get3A_30 = arith.index_cast %get3A : i32 to index
        %get3A_31 = arith.index_cast %mul3A_29 : i32 to index
        %get3A_32 = tpu.vector_load %arg4[%get3A_30, %get3A_31] {strides = array<i32>} : memref<48x2048xf32, #tpu.memory_space<vmem>>, vector<1x16xf32>,
        %get3A_33 = vector.shape_cast %get3A_32 : vector<1x16xf32> to vector<16xf32>
        %add3A_34 = arith.constant 512 : i32
        %add3A_35 = arith.addi %add3A_34, %mul3A_29 : i32
        %get3A_36 = arith.constant 1 : i32
        %get3A_37 = arith.index_cast %get3A_36 : i32 to index
        %get3A_38 = arith.index_cast %add3A_35 : i32 to index
        %get3A_39 = tpu.vector_load %arg4[%get3A_37, %get3A_38] {strides = array<i32>} : memref<48x2048xf32, #tpu.memory_space<vmem>>, vector<1x16xf32>,
        %get3A_40 = vector.shape_cast %get3A_39 : vector<1x16xf32> to vector<16xf32>
        %add3A_41 = arith.addf %get3A_33, %get3A_40 : vector<16xf32>
        %add3A_42 = arith.constant 1024 : i32
        %add3A_43 = arith.addi %add3A_42, %mul3A_29 : i32
        %get3A_44 = arith.constant 0 : i32
        %get3A_45 = arith.index_cast %get3A_44 : i32 to index
        %get3A_46 = arith.index_cast %add3A_43 : i32 to index
        %get3A_47 = tpu.vector_load %arg4[%get3A_45, %get3A_46] {strides = array<i32>} : memref<48x2048xf32, #tpu.memory_space<vmem>>, vector<1x16xf32>,
        %get3A_48 = vector.shape_cast %get3A_47 : vector<1x16xf32> to vector<16xf32>
        %add3A_49 = arith.addf %add3A_41, %get3A_48 : vector<16xf32>
        %div3A = arith.constant 3.000000e+00 : f32
        %div3A_50 = vector.broadcast %div3A : f32 to vector<16xf32>
        %div3A_51 = arith.divf %add3A_49, %div3A_50 : vector<16xf32>
        %add3A_52 = arith.constant 256 : i32
        %add3A_53 = arith.addi %add3A_52, %mul3A_29 : i32
        %swap3A = arith.index_cast %add3A_53 : i32 to index
        %swap3A_54 = tpu.vector_load %arg5[%swap3A] {strides = array<i32>} : memref<20480xf32, #tpu.memory_space<vmem>>, vector<16xf32>,
        %swap3A_55 = vector.shape_cast %swap3A_54 : vector<16xf32> to vector<16xf32>
        %swap3A_56 = vector.shape_cast %div3A_51 : vector<16xf32> to vector<16xf32>
        tpu.vector_store %arg5[%swap3A], %swap3A_56 {strides = array<i32>} : memref<20480xf32, #tpu.memory_space<vmem>>, vector<16xf32>,
      }
      %scan3A_26 = arith.constant 32 : i32
      %run_scoped3A = arith.constant 0 : i32
      "tpu.region"() ({
        %run_scoped3A_27 = tpu.sem_alloc : memref<!tpu.dma_semaphore, #tpu.memory_space<semaphore_mem>>
        %dma_start3A = arith.constant 0 : i32
        %dma_start3A_28 = tpu.memref_slice %arg5[%dma_start3A] : memref<20480xf32, #tpu.memory_space<vmem>> -> memref<768xf32, #tpu.memory_space<vmem>>
        %dma_start3A_29 = arith.constant 0 : i32
        %dma_start3A_30 = tpu.memref_slice %arg3[%shift_right_arithmetic3A_1, %run_scoped3A, %dma_start3A_29] : memref<4x1x2097152xf32, #tpu.memory_space<hbm>> -> memref<1x1x768xf32, #tpu.memory_space<hbm>>
        %dma_start3A_31 = tpu.memref_squeeze %dma_start3A_30 : memref<1x1x768xf32, #tpu.memory_space<hbm>> -> memref<768xf32, #tpu.memory_space<hbm>>
        %dma_start3A_32 = arith.constant 0 : i32
        %dma_start3A_33 = tpu.memref_slice %arg3[%shift_right_arithmetic3A_1, %run_scoped3A, %dma_start3A_32] : memref<4x1x2097152xf32, #tpu.memory_space<hbm>> -> memref<1x1x768xf32, #tpu.memory_space<hbm>>
        %dma_start3A_34 = tpu.memref_squeeze %dma_start3A_33 : memref<1x1x768xf32, #tpu.memory_space<hbm>> -> memref<768xf32, #tpu.memory_space<hbm>>
        %dma_start3A_35 = arith.constant 0 : i32
        %dma_start3A_36 = tpu.memref_slice %arg5[%dma_start3A_35] : memref<20480xf32, #tpu.memory_space<vmem>> -> memref<768xf32, #tpu.memory_space<vmem>>
        tpu.enqueue_dma source(%dma_start3A_36 : memref<768xf32, #tpu.memory_space<vmem>>) target(%dma_start3A_34 : memref<768xf32, #tpu.memory_space<hbm>>) target_semaphore(%run_scoped3A_27 : memref<!tpu.dma_semaphore, #tpu.memory_space<semaphore_mem>>)
        %dma_wait3A = arith.constant 0 : i32
        %dma_wait3A_37 = tpu.memref_slice %arg5[%dma_wait3A] : memref<20480xf32, #tpu.memory_space<vmem>> -> memref<768xf32, #tpu.memory_space<vmem>>
        %dma_wait3A_38 = arith.constant 0 : i32
        %dma_wait3A_39 = tpu.memref_slice %arg3[%shift_right_arithmetic3A_1, %run_scoped3A, %dma_wait3A_38] : memref<4x1x2097152xf32, #tpu.memory_space<hbm>> -> memref<1x1x768xf32, #tpu.memory_space<hbm>>
        %dma_wait3A_40 = tpu.memref_squeeze %dma_wait3A_39 : memref<1x1x768xf32, #tpu.memory_space<hbm>> -> memref<768xf32, #tpu.memory_space<hbm>>
        %dma_wait3A_41 = arith.constant 0 : i32
        %dma_wait3A_42 = tpu.memref_slice %arg3[%shift_right_arithmetic3A_1, %run_scoped3A, %dma_wait3A_41] : memref<4x1x2097152xf32, #tpu.memory_space<hbm>> -> memref<1x1x768xf32, #tpu.memory_space<hbm>>
        %dma_wait3A_43 = tpu.memref_squeeze %dma_wait3A_42 : memref<1x1x768xf32, #tpu.memory_space<hbm>> -> memref<768xf32, #tpu.memory_space<hbm>>
        %dma_wait3A_44 = arith.constant 0 : i32
        %dma_wait3A_45 = tpu.memref_slice %arg5[%dma_wait3A_44] : memref<20480xf32, #tpu.memory_space<vmem>> -> memref<768xf32, #tpu.memory_space<vmem>>
        tpu.wait_dma2 semaphore(%run_scoped3A_27 : memref<!tpu.dma_semaphore, #tpu.memory_space<semaphore_mem>>) src(%dma_wait3A_45 : memref<768xf32, #tpu.memory_space<vmem>>) dst(%dma_wait3A_43 : memref<768xf32, #tpu.memory_space<hbm>>)
        tpu.yield
      }) : () -> ()
    } else {
    }
    %eq3A_10 = arith.constant 7 : i32
    %eq3A_11 = arith.cmpi eq, %and3A_2, %eq3A_10 : i32
    %convert_element_type3A_12 = arith.extui %eq3A_11 : i1 to i32
    %cond3A_13 = arith.constant 0 : i32
    %cond3A_14 = arith.cmpi ne, %convert_element_type3A_12, %cond3A_13 : i32
    scf.if %cond3A_14 {
      "tpu.region"() ({
        %run_scoped3A_27 = tpu.sem_alloc : memref<!tpu.dma_semaphore, #tpu.memory_space<semaphore_mem>>
        %dma_start3A = arith.constant 0 : i32
        %dma_start3A_28 = arith.constant 0 : i32
        %dma_start3A_29 = tpu.memref_slice %arg4[%dma_start3A, %dma_start3A_28] : memref<48x2048xf32, #tpu.memory_space<vmem>> -> memref<8x2048xf32, #tpu.memory_space<vmem>>
        %dma_start3A_30 = arith.constant 4088 : i32
        %dma_start3A_31 = arith.constant 0 : i32
        %dma_start3A_32 = tpu.memref_slice %arg2[%shift_right_arithmetic3A_1, %dma_start3A_30, %dma_start3A_31] : memref<4x4096x2048xf32, #tpu.memory_space<hbm>> -> memref<1x8x2048xf32, #tpu.memory_space<hbm>>
        %dma_start3A_33 = tpu.memref_squeeze %dma_start3A_32 : memref<1x8x2048xf32, #tpu.memory_space<hbm>> -> memref<8x2048xf32, #tpu.memory_space<hbm>>
        %dma_start3A_34 = arith.constant 0 : i32
        %dma_start3A_35 = arith.constant 0 : i32
        %dma_start3A_36 = tpu.memref_slice %arg4[%dma_start3A_34, %dma_start3A_35] : memref<48x2048xf32, #tpu.memory_space<vmem>> -> memref<8x2048xf32, #tpu.memory_space<vmem>>
        %dma_start3A_37 = arith.constant 4088 : i32
        %dma_start3A_38 = arith.constant 0 : i32
        %dma_start3A_39 = tpu.memref_slice %arg2[%shift_right_arithmetic3A_1, %dma_start3A_37, %dma_start3A_38] : memref<4x4096x2048xf32, #tpu.memory_space<hbm>> -> memref<1x8x2048xf32, #tpu.memory_space<hbm>>
        %dma_start3A_40 = tpu.memref_squeeze %dma_start3A_39 : memref<1x8x2048xf32, #tpu.memory_space<hbm>> -> memref<8x2048xf32, #tpu.memory_space<hbm>>
        tpu.enqueue_dma source(%dma_start3A_40 : memref<8x2048xf32, #tpu.memory_space<hbm>>) target(%dma_start3A_36 : memref<8x2048xf32, #tpu.memory_space<vmem>>) target_semaphore(%run_scoped3A_27 : memref<!tpu.dma_semaphore, #tpu.memory_space<semaphore_mem>>)
        %dma_wait3A = arith.constant 0 : i32
        %dma_wait3A_41 = arith.constant 0 : i32
        %dma_wait3A_42 = tpu.memref_slice %arg4[%dma_wait3A, %dma_wait3A_41] : memref<48x2048xf32, #tpu.memory_space<vmem>> -> memref<8x2048xf32, #tpu.memory_space<vmem>>
        %dma_wait3A_43 = arith.constant 4088 : i32
        %dma_wait3A_44 = arith.constant 0 : i32
        %dma_wait3A_45 = tpu.memref_slice %arg2[%shift_right_arithmetic3A_1, %dma_wait3A_43, %dma_wait3A_44] : memref<4x4096x2048xf32, #tpu.memory_space<hbm>> -> memref<1x8x2048xf32, #tpu.memory_space<hbm>>
        %dma_wait3A_46 = tpu.memref_squeeze %dma_wait3A_45 : memref<1x8x2048xf32, #tpu.memory_space<hbm>> -> memref<8x2048xf32, #tpu.memory_space<hbm>>
        %dma_wait3A_47 = arith.constant 0 : i32
        %dma_wait3A_48 = arith.constant 0 : i32
        %dma_wait3A_49 = tpu.memref_slice %arg4[%dma_wait3A_47, %dma_wait3A_48] : memref<48x2048xf32, #tpu.memory_space<vmem>> -> memref<8x2048xf32, #tpu.memory_space<vmem>>
        %dma_wait3A_50 = arith.constant 4088 : i32
        %dma_wait3A_51 = arith.constant 0 : i32
        %dma_wait3A_52 = tpu.memref_slice %arg2[%shift_right_arithmetic3A_1, %dma_wait3A_50, %dma_wait3A_51] : memref<4x4096x2048xf32, #tpu.memory_space<hbm>> -> memref<1x8x2048xf32, #tpu.memory_space<hbm>>
        %dma_wait3A_53 = tpu.memref_squeeze %dma_wait3A_52 : memref<1x8x2048xf32, #tpu.memory_space<hbm>> -> memref<8x2048xf32, #tpu.memory_space<hbm>>
        tpu.wait_dma2 semaphore(%run_scoped3A_27 : memref<!tpu.dma_semaphore, #tpu.memory_space<semaphore_mem>>) src(%dma_wait3A_53 : memref<8x2048xf32, #tpu.memory_space<hbm>>) dst(%dma_wait3A_49 : memref<8x2048xf32, #tpu.memory_space<vmem>>)
        tpu.yield
      }) : () -> ()
      %scan3A_15 = arith.constant 0 : i32
      %scan3A_16 = arith.constant 0 : i32
      %scan3A_17 = arith.constant 32 : i32
      %scan3A_18 = arith.addi %scan3A_16, %scan3A_17 : i32
      %scan3A_19 = arith.constant 1 : i32
      scf.for %scan3A_27 = %scan3A_16 to %scan3A_18 step %scan3A_19  : i32 {
        %mul3A_28 = arith.constant 16 : i32
        %mul3A_29 = arith.muli %scan3A_27, %mul3A_28 : i32
        %add3A_30 = arith.constant 512 : i32
        %add3A_31 = arith.addi %add3A_30, %mul3A_29 : i32
        %get3A = arith.constant 7 : i32
        %get3A_32 = arith.index_cast %get3A : i32 to index
        %get3A_33 = arith.index_cast %add3A_31 : i32 to index
        %get3A_34 = tpu.vector_load %arg4[%get3A_32, %get3A_33] {strides = array<i32>} : memref<48x2048xf32, #tpu.memory_space<vmem>>, vector<1x16xf32>,
        %get3A_35 = vector.shape_cast %get3A_34 : vector<1x16xf32> to vector<16xf32>
        %add3A_36 = arith.constant 1024 : i32
        %add3A_37 = arith.addi %add3A_36, %mul3A_29 : i32
        %get3A_38 = arith.constant 6 : i32
        %get3A_39 = arith.index_cast %get3A_38 : i32 to index
        %get3A_40 = arith.index_cast %add3A_37 : i32 to index
        %get3A_41 = tpu.vector_load %arg4[%get3A_39, %get3A_40] {strides = array<i32>} : memref<48x2048xf32, #tpu.memory_space<vmem>>, vector<1x16xf32>,
        %get3A_42 = vector.shape_cast %get3A_41 : vector<1x16xf32> to vector<16xf32>
        %add3A_43 = arith.addf %get3A_35, %get3A_42 : vector<16xf32>
        %add3A_44 = arith.constant 1536 : i32
        %add3A_45 = arith.addi %add3A_44, %mul3A_29 : i32
        %get3A_46 = arith.constant 5 : i32
        %get3A_47 = arith.index_cast %get3A_46 : i32 to index
        %get3A_48 = arith.index_cast %add3A_45 : i32 to index
        %get3A_49 = tpu.vector_load %arg4[%get3A_47, %get3A_48] {strides = array<i32>} : memref<48x2048xf32, #tpu.memory_space<vmem>>, vector<1x16xf32>,
        %get3A_50 = vector.shape_cast %get3A_49 : vector<1x16xf32> to vector<16xf32>
        %add3A_51 = arith.addf %add3A_43, %get3A_50 : vector<16xf32>
        %div3A = arith.constant 3.000000e+00 : f32
        %div3A_52 = vector.broadcast %div3A : f32 to vector<16xf32>
        %div3A_53 = arith.divf %add3A_51, %div3A_52 : vector<16xf32>
        %swap3A = arith.index_cast %mul3A_29 : i32 to index
        %swap3A_54 = tpu.vector_load %arg5[%swap3A] {strides = array<i32>} : memref<20480xf32, #tpu.memory_space<vmem>>, vector<16xf32>,
        %swap3A_55 = vector.shape_cast %swap3A_54 : vector<16xf32> to vector<16xf32>
        %swap3A_56 = vector.shape_cast %div3A_53 : vector<16xf32> to vector<16xf32>
        tpu.vector_store %arg5[%swap3A], %swap3A_56 {strides = array<i32>} : memref<20480xf32, #tpu.memory_space<vmem>>, vector<16xf32>,
      }
      %scan3A_20 = arith.constant 32 : i32
      %scan3A_21 = arith.constant 0 : i32
      %scan3A_22 = arith.constant 0 : i32
      %scan3A_23 = arith.constant 16 : i32
      %scan3A_24 = arith.addi %scan3A_22, %scan3A_23 : i32
      %scan3A_25 = arith.constant 1 : i32
      scf.for %scan3A_27 = %scan3A_22 to %scan3A_24 step %scan3A_25  : i32 {
        %mul3A_28 = arith.constant 16 : i32
        %mul3A_29 = arith.muli %scan3A_27, %mul3A_28 : i32
        %add3A_30 = arith.constant 1024 : i32
        %add3A_31 = arith.addi %add3A_30, %mul3A_29 : i32
        %get3A = arith.constant 7 : i32
        %get3A_32 = arith.index_cast %get3A : i32 to index
        %get3A_33 = arith.index_cast %add3A_31 : i32 to index
        %get3A_34 = tpu.vector_load %arg4[%get3A_32, %get3A_33] {strides = array<i32>} : memref<48x2048xf32, #tpu.memory_space<vmem>>, vector<1x16xf32>,
        %get3A_35 = vector.shape_cast %get3A_34 : vector<1x16xf32> to vector<16xf32>
        %add3A_36 = arith.constant 1536 : i32
        %add3A_37 = arith.addi %add3A_36, %mul3A_29 : i32
        %get3A_38 = arith.constant 6 : i32
        %get3A_39 = arith.index_cast %get3A_38 : i32 to index
        %get3A_40 = arith.index_cast %add3A_37 : i32 to index
        %get3A_41 = tpu.vector_load %arg4[%get3A_39, %get3A_40] {strides = array<i32>} : memref<48x2048xf32, #tpu.memory_space<vmem>>, vector<1x16xf32>,
        %get3A_42 = vector.shape_cast %get3A_41 : vector<1x16xf32> to vector<16xf32>
        %add3A_43 = arith.addf %get3A_35, %get3A_42 : vector<16xf32>
        %mul3A_44 = arith.constant 5.000000e-01 : f32
        %mul3A_45 = vector.broadcast %mul3A_44 : f32 to vector<16xf32>
        %mul3A_46 = arith.mulf %add3A_43, %mul3A_45 : vector<16xf32>
        %add3A_47 = arith.constant 512 : i32
        %add3A_48 = arith.addi %add3A_47, %mul3A_29 : i32
        %swap3A = arith.index_cast %add3A_48 : i32 to index
        %swap3A_49 = tpu.vector_load %arg5[%swap3A] {strides = array<i32>} : memref<20480xf32, #tpu.memory_space<vmem>>, vector<16xf32>,
        %swap3A_50 = vector.shape_cast %swap3A_49 : vector<16xf32> to vector<16xf32>
        %swap3A_51 = vector.shape_cast %mul3A_46 : vector<16xf32> to vector<16xf32>
        tpu.vector_store %arg5[%swap3A], %swap3A_51 {strides = array<i32>} : memref<20480xf32, #tpu.memory_space<vmem>>, vector<16xf32>,
      }
      %scan3A_26 = arith.constant 16 : i32
      %run_scoped3A = arith.constant 0 : i32
      "tpu.region"() ({
        %run_scoped3A_27 = tpu.sem_alloc : memref<!tpu.dma_semaphore, #tpu.memory_space<semaphore_mem>>
        %dma_start3A = arith.constant 0 : i32
        %dma_start3A_28 = tpu.memref_slice %arg5[%dma_start3A] : memref<20480xf32, #tpu.memory_space<vmem>> -> memref<768xf32, #tpu.memory_space<vmem>>
        %dma_start3A_29 = arith.constant 2096384 : i32
        %dma_start3A_30 = tpu.memref_slice %arg3[%shift_right_arithmetic3A_1, %run_scoped3A, %dma_start3A_29] : memref<4x1x2097152xf32, #tpu.memory_space<hbm>> -> memref<1x1x768xf32, #tpu.memory_space<hbm>>
        %dma_start3A_31 = tpu.memref_squeeze %dma_start3A_30 : memref<1x1x768xf32, #tpu.memory_space<hbm>> -> memref<768xf32, #tpu.memory_space<hbm>>
        %dma_start3A_32 = arith.constant 2096384 : i32
        %dma_start3A_33 = tpu.memref_slice %arg3[%shift_right_arithmetic3A_1, %run_scoped3A, %dma_start3A_32] : memref<4x1x2097152xf32, #tpu.memory_space<hbm>> -> memref<1x1x768xf32, #tpu.memory_space<hbm>>
        %dma_start3A_34 = tpu.memref_squeeze %dma_start3A_33 : memref<1x1x768xf32, #tpu.memory_space<hbm>> -> memref<768xf32, #tpu.memory_space<hbm>>
        %dma_start3A_35 = arith.constant 0 : i32
        %dma_start3A_36 = tpu.memref_slice %arg5[%dma_start3A_35] : memref<20480xf32, #tpu.memory_space<vmem>> -> memref<768xf32, #tpu.memory_space<vmem>>
        tpu.enqueue_dma source(%dma_start3A_36 : memref<768xf32, #tpu.memory_space<vmem>>) target(%dma_start3A_34 : memref<768xf32, #tpu.memory_space<hbm>>) target_semaphore(%run_scoped3A_27 : memref<!tpu.dma_semaphore, #tpu.memory_space<semaphore_mem>>)
        %dma_wait3A = arith.constant 0 : i32
        %dma_wait3A_37 = tpu.memref_slice %arg5[%dma_wait3A] : memref<20480xf32, #tpu.memory_space<vmem>> -> memref<768xf32, #tpu.memory_space<vmem>>
        %dma_wait3A_38 = arith.constant 2096384 : i32
        %dma_wait3A_39 = tpu.memref_slice %arg3[%shift_right_arithmetic3A_1, %run_scoped3A, %dma_wait3A_38] : memref<4x1x2097152xf32, #tpu.memory_space<hbm>> -> memref<1x1x768xf32, #tpu.memory_space<hbm>>
        %dma_wait3A_40 = tpu.memref_squeeze %dma_wait3A_39 : memref<1x1x768xf32, #tpu.memory_space<hbm>> -> memref<768xf32, #tpu.memory_space<hbm>>
        %dma_wait3A_41 = arith.constant 2096384 : i32
        %dma_wait3A_42 = tpu.memref_slice %arg3[%shift_right_arithmetic3A_1, %run_scoped3A, %dma_wait3A_41] : memref<4x1x2097152xf32, #tpu.memory_space<hbm>> -> memref<1x1x768xf32, #tpu.memory_space<hbm>>
        %dma_wait3A_43 = tpu.memref_squeeze %dma_wait3A_42 : memref<1x1x768xf32, #tpu.memory_space<hbm>> -> memref<768xf32, #tpu.memory_space<hbm>>
        %dma_wait3A_44 = arith.constant 0 : i32
        %dma_wait3A_45 = tpu.memref_slice %arg5[%dma_wait3A_44] : memref<20480xf32, #tpu.memory_space<vmem>> -> memref<768xf32, #tpu.memory_space<vmem>>
        tpu.wait_dma2 semaphore(%run_scoped3A_27 : memref<!tpu.dma_semaphore, #tpu.memory_space<semaphore_mem>>) src(%dma_wait3A_45 : memref<768xf32, #tpu.memory_space<vmem>>) dst(%dma_wait3A_43 : memref<768xf32, #tpu.memory_space<hbm>>)
        tpu.yield
      }) : () -> ()
    } else {
    }
    return
  }
}

</mosaic_0001>

<sc_bundles>
// kernel: kernel.3.cloned.1.call-start
scs
__scs_entry_jumppad:
0x0: {  	(pc) =	sbr.rel $0x88, $3  }
0x1: {  	(tag) =	ssettag $0x0;
	lr =	simm.s32 $0x1  }
0x2: {  	[smem:$0x3FA0] =	sst lr;
	_ =	strace $0xD0000000  }
0x3: {  	_ = 	snop  }
0x4: {  	_ = 	snop  }
0x5: {  	_ = 	snop  }
0x6: {  	_ = 	snop  }
0x7: {  	_ = 	snop  }
__scs_overlays_trampoline_lowered:
0x8: {  	[smem:$0x3FAF] =	sst s0  }
0x9: {  	[smem:$0x3FB0] =	sst s1  }
0xa: {  	[smem:$0x3FB1] =	sst s2  }
0xb: {  	[smem:$0x3FB2] =	sst s3  }
0xc: {  	[smem:$0x3FB3] =	sst s4  }
0xd: {  	[smem:$0x3FB4] =	sst s5  }
0xe: {  	[smem:$0x3FB5] =	sst s6  }
0xf: {  	[smem:$0x3FB6] =	sst s7  }
0x10: {  	[smem:$0x3FB7] =	sst s8  }
0x11: {  	[smem:$0x3FB8] =	sst s9;
	s0 =	simm.s32 @!p0 $0x0  }
0x12: {  	s1 =	sld [smem:$0x3F9E];
	s0 =	simm.s32 @p0 $0x1  }
0x13: {  	[smem:$0x3FB9] =	sst s0;
	s0 =	simm.s32 @!p1 $0x0  }
0x14: {  	s2 =	sld [smem:$0x3F9D];
	s0 =	simm.s32 @p1 $0x1  }
0x15: {  	[smem:$0x3FBA] =	sst s0;
	s0 =	simm.s32 @!p2 $0x0  }
0x16: {  	s3 =	sld [smem:$0x3FDB];
	s0 =	simm.s32 @p2 $0x1  }
0x17: {  	s4 =	simm.s32 $0x1BF5;
	[smem:$0x3FBC] =	sst s0  }
0x18: {  	s0 =	sld [smem:$0x3F9F];
	_ =	swait.ge [sflag:s4], $0x0  }
0x19: {  	s7 =	sld [smem:$0x3FA0]  }
0x1a: {  	s8 =	sadd.s32 $0xFFFFE003, lr  }
0x1b: {  	s9 =	sadd.s32 $0xFFFFFEF7, lr;
	s5 =	simm.s32 $0xFFFFFFFF;
	p2 =	slt.u32 s8, $0xFFFFF086  }
0x1c: {  	p1 =	slt.u32 s9, $0xF7A;
	s5 =	simm.s32 @!p2 $0x0  }
0x1d: {  	s5 =	simm.s32 @p1 $0x1;
	p0 =	seq.s32 s7, s2  }
0x1e: {  	s7 =	smul.u32 @!p0 $0xF7A, s2;
	p2 =	seq.s32 @!p0 s5, $0x0  }
0x1f: {  	s9 =	smul.u32 $0xF7A, s1;
	s8 =	simm.s32 @!p0 $0x1BF5;
	p2 =	por !p2, p0  }
0x20: {  	[sflag:s8] =	ssyncset.s32 @!p0 $0xFFFFF086;
	s6 =	sadd.s32 @!p0 s3, s7;
	s7 =	simm.s32 @!p0 $0x108  }
0x21: {  	s3 =	sadd.s32 s3, s9;
	s6 =	sadd.s32 @!p0 $0x88, s6;
	s7 =	simm.s32 @p2 $0x1082  }
0x22: {  	[simem:s7], [sflag:s8] =	dma.local @!p0 [hbm:s6], $0xF7A  }
0x23: {  	s9 =	sor.u32 $0xD0000000, s2;
	s6 =	simm.s32 $0x108;
	_ =	swait.ge @!p0 [sflag:s8], $0x0  }
0x24: {  	s3 =	sadd.s32 $0x88, s3;
	s6 =	simm.s32 @!p1 $0x1082;
	[sflag:s4] =	ssyncset.s32 $0xFFFFF086  }
0x25: {  	[simem:s6], [sflag:s4] =	dma.local [hbm:s3], $0xF7A  }
0x26: {  	[smem:$0x3FA0] =	sst s1;
	(tag) =	ssettag s2;
	_ =	strace s9  }
0x27: {  	s1 =	sld [smem:$0x3FB0]  }
0x28: {  	s2 =	sld [smem:$0x3FB1]  }
0x29: {  	s4 =	sld [smem:$0x3FB3]  }
0x2a: {  	p0 =	seq.s32 s5, $0x0;
	s5 =	sld [smem:$0x3FB4]  }
0x2b: {  	s6 =	sld [smem:$0x3FB5]  }
0x2c: {  	s7 =	sld [smem:$0x3FB6]  }
0x2d: {  	s3 =	simm.s32 $0x108;
	s8 =	sld [smem:$0x3FB7]  }
0x2e: {  	s3 =	simm.s32 @!p0 $0x1082;
	s9 =	sld [smem:$0x3FB8]  }
0x2f: {  	lr =	sadd.s32 s0, s3;
	s0 =	sld [smem:$0x3FAF]  }
0x30: {  	s3 =	sld [smem:$0x3FB2]  }
0x31: {  	[smem:$0x3FBB] =	sst s10  }
0x32: {  	s10 =	sld [smem:$0x3FB9];
	_ =	sdelay $0x3  }
0x33: {  	p0 =	seq.s32 s10, $0x1;
	s10 =	sld [smem:$0x3FBB];
	_ =	sdelay $0x3  }
0x34: {  	[smem:$0x3FBB] =	sst s10  }
0x35: {  	s10 =	sld [smem:$0x3FBA];
	_ =	sdelay $0x3  }
0x36: {  	p1 =	seq.s32 s10, $0x1;
	s10 =	sld [smem:$0x3FBB];
	_ =	sdelay $0x3  }
0x37: {  	[smem:$0x3FBB] =	sst s10  }
0x38: {  	s10 =	sld [smem:$0x3FBC]  }
0x39: {  	_ = 	snop;
	(pc) =	sbr.ind lr, $3  }
0x3a: {  	_ = 	snop  }
0x3b: {  	_ = 	snop  }
0x3c: {  	p2 =	seq.s32 s10, $0x1;
	s10 =	sld [smem:$0x3FBB]  }
0x3d: {  	_ =	shalt  }
0x3e: {  	_ =	shalt  }
0x3f: {  	_ =	shalt  }
0x40: {  	_ =	shalt  }
0x41: {  	_ =	shalt  }
0x42: {  	_ =	shalt  }
0x43: {  	_ =	shalt  }
0x44: {  	_ =	shalt  }
0x45: {  	_ =	shalt  }
0x46: {  	_ =	shalt  }
0x47: {  	_ =	shalt  }
0x48: {  	_ =	shalt  }
0x49: {  	_ =	shalt  }
0x4a: {  	_ =	shalt  }
0x4b: {  	_ =	shalt  }
0x4c: {  	_ =	shalt  }
0x4d: {  	_ =	shalt  }
0x4e: {  	_ =	shalt  }
0x4f: {  	_ =	shalt  }
0x50: {  	_ =	shalt  }
0x51: {  	_ =	shalt  }
0x52: {  	_ =	shalt  }
0x53: {  	_ =	shalt  }
0x54: {  	_ =	shalt  }
0x55: {  	_ =	shalt  }
0x56: {  	_ =	shalt  }
0x57: {  	_ =	shalt  }
0x58: {  	_ =	shalt  }
0x59: {  	_ =	shalt  }
0x5a: {  	_ =	shalt  }
0x5b: {  	_ =	shalt  }
0x5c: {  	_ =	shalt  }
0x5d: {  	_ =	shalt  }
0x5e: {  	_ =	shalt  }
0x5f: {  	_ =	shalt  }
0x60: {  	_ =	shalt  }
0x61: {  	_ =	shalt  }
0x62: {  	_ =	shalt  }
0x63: {  	_ =	shalt  }
0x64: {  	_ =	shalt  }
0x65: {  	_ =	shalt  }
0x66: {  	_ =	shalt  }
0x67: {  	_ =	shalt  }
0x68: {  	_ =	shalt  }
0x69: {  	_ =	shalt  }
0x6a: {  	_ =	shalt  }
0x6b: {  	_ =	shalt  }
0x6c: {  	_ =	shalt  }
0x6d: {  	_ =	shalt  }
0x6e: {  	_ =	shalt  }
0x6f: {  	_ =	shalt  }
0x70: {  	_ =	shalt  }
0x71: {  	_ =	shalt  }
0x72: {  	_ =	shalt  }
0x73: {  	_ =	shalt  }
0x74: {  	_ =	shalt  }
0x75: {  	_ =	shalt  }
0x76: {  	_ =	shalt  }
0x77: {  	_ =	shalt  }
0x78: {  	_ =	shalt  }
0x79: {  	_ =	shalt  }
0x7a: {  	_ =	shalt  }
0x7b: {  	_ =	shalt  }
0x7c: {  	_ =	shalt  }
0x7d: {  	_ =	shalt  }
0x7e: {  	_ =	shalt  }
0x7f: {  	_ =	shalt  }
0x80: {  	_ =	shalt  }
0x81: {  	_ =	shalt  }
0x82: {  	_ =	shalt  }
0x83: {  	_ =	shalt  }
0x84: {  	_ =	shalt  }
0x85: {  	_ =	shalt  }
0x86: {  	_ =	shalt  }
0x87: {  	_ =	shalt  }
.Lfunc_end0:
.L_simem_size_0:
called_computation_lowered:
.L_overlay_start_0:
0x88: {  	s2 =	sld [smem:$0x3FD9]  }
0x89: {  	s3 =	sld [smem:$0x3FFE];
	_ =	sdelay $0x1  }
0x8a: {  	s1 =	srdreg.scid  }
0x8b: {  	s0 =	sand.u32 $0x1, s1  }
0x8c: {  	s17 =	sshll.u32 s0, $0xA;
	s2 =	sadd.s32 s3, s2  }
0x8d: {  	s2 =	sadd.s32 s2, s17  }
0x8e: {  	[smem:$0x3FC7] =	sst s2  }
0x8f: {  	_ = 	snop  }
0x90: {  	s2 =	sld [smem:$0x3FC9];
	(tm) =	ssettm $0x1  }
0x91: {  	s18 =	sld [smem:$0x3FFB];
	_ =	sdelay $0x3  }
0x92: {  	_ =	strace s18  }
0x93: {  	s3 =	sld [smem:$0x3FFC];
	_ =	sdelay $0x3  }
0x94: {  	_ =	strace s3  }
0x95: {  	s3 =	sld [smem:$0x3FFD];
	_ =	sdelay $0x3  }
0x96: {  	_ =	strace s3  }
0x97: {  	_ =	strace $0x8FFFFFFF  }
0x98: {  	s19 =	sld [smem:$0x3FDB];
	_ =	sdelay $0x1  }
0x99: {  	s4 =	simm.s32 $_scs_section_size  }
0x9a: {  	s5 =	simm.s32 $_size__tile_overlayer_lowered;
	s6 =	simm.s32 $_tile_overlayer_lowered  }
0x9b: {  	s22 =	simm.s32 $0x1BFF;
	s21 =	sshll.u32 s6, $0x1;
	s3 =	sadd.s32 s4, s19  }
0x9c: {  	s7 =	simm.s32 $0x0;
	s20 =	sshll.u32 s5, $0x1;
	s5 =	sadd.s32 s21, s3  }
0x9d: {  	[timem:s7], [sflag:s22] =	dma.local [hbm:s5], s20  }
0x9e: {  	_ =	swait.ge [sflag:s22], s20  }
0x9f: {  	s4 =	ssub.s32 $0x0, s20;
	[sflag:s22] =	ssyncset.done $0x0  }
0xa0: {  	[sflag:s22] =	ssyncadd.s32 s4;
	_ =	sdelay $0x1  }
0xa1: {  	s23 =	simm.s32 $0x1B8B  }
0xa2: {  	_ =	swait.ge [sflag:s23], $0x1  }
0xa3: {  	[sflag:s23] =	ssyncset.done $0x0  }
0xa4: {  	s25 =	simm.s32 $0x1B8E;
	s24 =	sld [smem:$0x3FFE];
	[sflag:s23] =	ssyncadd.s32 $0xFFFFFFFF  }
0xa5: {  	s26 =	simm.s32 $execute0_lowered;
	[smem:$0x3FD2] =	sst s25  }
0xa6: {  	s5 =	sshll.u32 s26, $0x1;
	_ =	strace $0x80000046;
	[dreg:$0x1] =	wrdreg $0xFFFFFFFF  }
0xa7: {  	s28 =	simm.s32 $_size_execute0_lowered;
	s3 =	sadd.s32 s3, s5;
	[dreg:$0x0] =	wrdreg $0x0  }
0xa8: {  	s5 =	sshll.u32 s28, $0x1;
	[dreg:$0x2] =	wrdreg s3  }
0xa9: {  	[dreg:$0x3] =	wrdreg s5  }
0xaa: {  	[dreg:$0x4] =	wrdreg $0xC0  }
0xab: {  	_ =	task [dreg:s7], $0x5FFFF  }
0xac: {  	[dreg:$0x1] =	wrdreg $0xFFFFFFFF  }
0xad: {  	[dreg:$0x0] =	wrdreg $0x60  }
0xae: {  	[dreg:$0x2] =	wrdreg s2  }
0xaf: {  	[dreg:$0x3] =	wrdreg s24  }
0xb0: {  	[dreg:$0x4] =	wrdreg $0x9  }
0xb1: {  	_ =	task.clear_ibuf [dreg:s7], $0x5FFFF;
	_ =	strace $0x90000046  }
0xb2: {  	s29 =	simm.s32 $0x9;
	_ =	strace $0x80000048  }
0xb3: {  	_ =	swait.ge [sflag:s29], $0x1  }
0xb4: {  	[sflag:s29] =	ssyncadd.s32 $0xFFFFFFFF  }
0xb5: {  	_ =	strace $0x90000048  }
0xb6: {  	_ =	sfence  }
0xb7: {  	s30 =	sld [smem:$0x0];
	_ =	sdelay $0x2  }
0xb8: {  	s31 =	sshll.u32 s1, $0xD;
	s1 =	sshrl.u32 s1, $0x2  }
0xb9: {  	s3 =	sand.u32 $0x4000, s31;
	s1 =	sadd.s32 s1, s30  }
0xba: {  	s0 =	sor.u32 s3, s0;
	s1 =	sshll.u32 s1, $0x11  }
0xbb: {  	s0 =	sor.u32 s1, s0  }
0xbc: {  	s0 =	sadd.s32 $0x8F2B, s0  }
0xbd: {  	[sflag:s0] =	ssyncadd.remote.s32 $0x1  }
0xbe: {  	_ =	sfence.sel $0xFFFF  }
0xbf: {  	[dreg:$0x0] =	wrdreg $0xFFFFFFFF;
	(pc) =	sbr.abs _section_cstart, $3  }
0xc0: {  	[dreg:$0x1] =	wrdreg $0xFFFFFFFF  }
0xc1: {  	_ =	task.clear_ibuf [dreg:s7], $0x2FFFF;
	_ =	strace $0x9FFFFFFF  }
0xc2: {  	(tm) =	ssettm $0x7FFFFFFF  }
0xc3: {  	_ =	shalt  }
tec
execute0_lowered:
.L_overlay_start_1:
0x0: {  	(tag) =	ssettag $0x1  }
0x1: {  	s1 =	rddreg [dreg:$0x0];
	s2 =	simm.s32 $0x0  }
0x2: {  	[smem:$0x7FF] =	sst s2  }
0x3: {  	s3 =	rddreg [dreg:$0x1];
	v0 =	vimm.f32 $3.000000000e+00;
	_ =	strace $0x80000047  }
0x4: {  	s5 =	srdreg.scid;
	(erf) = vrcp.f32 v0  }
0x5: {  	s13 =	simm.s32 $0x1;
	s14 =	simm.s32 $0x18000;
	s5 =	sand.u32 $0x1, s5  }
0x6: {  	s4 =	sadd.s32 $0x400, s3;
	s3 =	stileid.u32;
	s6 =	ssub.s32 $0x2, s5  }
0x7: {  	s5 =	sshll.u32 s5, $0x4;
	s15 =	sand.u32 $0x7, s3;
	s7 =	sshrl.u32 s6, $0x1  }
0x8: {  	s5 =	sor.u32 s3, s5;
	p0 =	seq.s32 s15, $0x7;
	p1 =	sne.s32 s15, $0x0  }
.Ltmp0:
0x9: {  	s12 =	ssub.s32 s6, s7;
	s31 =	sshrl.u32 s5, $0x3;
	(pc) =	sbr.rel .LBB2_1-.Ltmp0, $4  }
0xa: {  	s5 =	smul.u32 $0xD, s15;
	s15 =	simm.s32 $0x0;
	s6 =	sshll.u32 s31, $0x17  }
0xb: {  	s8 =	sshll.u32 s31, $0x14;
	s9 =	sshll.u32 s31, $0x12;
	s10 =	sshll.u32 s31, $0x15  }
0xc: {  	s12 =	smax.u32 s12, $0x1;
	s7 =	sadd.s32 s1, s8;
	s8 =	sadd.s32 s4, s9  }
0xd: {  	s9 =	sadd.s32 $0xFFFFFD00, s10;
	s10 =	sadd.s32 $0xFF800, s7;
	s11 =	sadd.s32 $0x3FFA0, s8;
	v0 =	vpop (erf)  }
.LBB2_17:
0xe: {  	[hbm4b:s16+s2] =	stream.linear.scatter [tilespmem:s14], [sflag:$0x1], $0x300, $0x38;
	[tilespmem:$0x1D000] =	vst v63  }
0xf: {  	_ =	swait.ge [sflag:s13], $0x300  }
0x10: {  	[sflag:s13] =	ssyncset.done $0x0  }
0x11: {  	[sflag:s13] =	ssyncadd.s32 $0xFFFFFD00  }
.LBB2_18:
0x12: {  	s15 =	sadd.s32 $0x1, s15  }
0x13: {  	p2 =	sne.s32 s15, s12  }
.Ltmp1:
0x14: {  	_ = 	snop;
	(pc) =	sbr.rel @!p2 .LBB2_19-.Ltmp1, $1  }
0x15: {  	_ =	sdelay $0x3  }
.LBB2_1:
0x16: {  	s16 =	simm.s32 $0x0  }
.LBB2_2:
0x17: {  	s17 =	sadd.s32 s5, s16  }
0x18: {  	s17 =	smul.u32 $0x28, s17;
	_ =	sdelay $0x1  }
0x19: {  	s17 =	sor.u32 $0x3, s17  }
0x1a: {  	s17 =	smin.u32 s17, $0xFD8  }
0x1b: {  	s18 =	sadd.s32 $0xFFFFFFFD, s17  }
0x1c: {  	s19 =	sshll.u32 s18, $0xB  }
0x1d: {  	s19 =	sand.u32 $0x7FFFC000, s19  }
0x1e: {  	s19 =	sadd.s32 s6, s19  }
0x1f: {  	s18 =	sand.u32 $0x7, s18;
	s19 =	sshrl.u32 s19, $0x3  }
0x20: {  	s24 =	simm.s32 $0x0;
	[dreg:$0x3] =	wrdreg s18;
	s23 =	sadd.s32 s1, s19  }
0x21: {  	[tilespmem:s24], [sflag:$0x1] =	stream.linear.gather [hbm4b:s23+s24], $0x18000, $0x38;
	[tilespmem:$0x1D000] =	vst v63  }
0x22: {  	_ =	swait.ge [sflag:s13], $0x18000  }
0x23: {  	s25 =	rddreg [dreg:$0x3]  }
0x24: {  	s20 =	sand.u32 $0x70, s24;
	s19 =	sand.u32 $0xC00, s24;
	s18 =	sadd.s32 $0x0, s25  }
0x25: {  	[sflag:s13] =	ssyncset.done $0x0;
	s21 =	sadd.s32 $0x3, s18;
	s22 =	sadd.s32 $0x2, s18  }
0x26: {  	[sflag:s13] =	ssyncadd.s32 $0xFFFE8000;
	s23 =	sshll.u32 s21, $0x7;
	s24 =	sshll.u32 s22, $0xB  }
0x27: {  	s21 =	sshll.u32 s21, $0xB;
	s22 =	sshll.u32 s22, $0x7;
	s24 =	sand.u32 $0x7C000, s24  }
0x28: {  	s21 =	sand.u32 $0x7C000, s21;
	s22 =	sand.u32 $0x380, s22;
	s24 =	sor.u32 s19, s24  }
0x29: {  	s23 =	sand.u32 $0x380, s23;
	s21 =	sor.u32 s19, s21;
	s22 =	sor.u32 s22, s24  }
0x2a: {  	s26 =	sadd.s32 $0x1, s18;
	s21 =	sor.u32 s23, s21;
	s22 =	sor.u32 s20, s22  }
0x2b: {  	s29 =	sshll.u32 s18, $0xB;
	s24 =	sshll.u32 s26, $0xB;
	s21 =	sor.u32 s20, s21;
	v3 =	vld [tilespmem:s22+$0x1000]  }
0x2c: {  	s18 =	sshll.u32 s18, $0x7;
	s28 =	sshll.u32 s26, $0x7;
	s24 =	sand.u32 $0x7C000, s24;
	v4 =	vld [tilespmem:s21+$0x0]  }
0x2d: {  	s23 =	sand.u32 $0x380, s28;
	s30 =	sor.u32 s19, s24;
	s22 =	sand.u32 $0x3C000, s29  }
0x2e: {  	s31 =	sand.u32 $0x380, s18;
	s21 =	sor.u32 s23, s30;
	s19 =	sor.u32 s19, s22  }
0x2f: {  	s18 =	simm.s32 $0x18000;
	s21 =	sor.u32 s20, s21;
	s19 =	sor.u32 s31, s19  }
0x30: {  	s22 =	rddreg [dreg:$0x3];
	s23 =	simm.s32 $0x0;
	v2 =	vld [tilespmem:s21+$0x2000];
	s20 =	sor.u32 s20, s19  }
0x31: {  	s19 =	simm.s32 $0x10;
	s21 =	simm.s32 $0x2;
	v1 =	vld [tilespmem:s20+$0x3000];
	s20 =	simm.s32 $0x80;
	v3 =	vadd.f32 v3, v4  }
.LBB2_3:
0x32: {  	_ =	sdelay $0x2  }
0x33: {  	s22 =	sadd.s32 s22, s23;
	s23 =	sand.u32 $0x70, s19;
	s24 =	sand.u32 $0xC00, s20;
	v2 =	vadd.f32 v2, v3  }
0x34: {  	s25 =	sadd.s32 $0x1, s22;
	s28 =	sadd.s32 $0x3, s22;
	s29 =	sadd.s32 $0x2, s22  }
0x35: {  	s30 =	sshll.u32 s25, $0x7;
	s31 =	sshll.u32 s28, $0x7;
	s0 =	sshll.u32 s29, $0xB;
	v1 =	vadd.f32 v1, v2  }
0x36: {  	s28 =	sshll.u32 s28, $0xB;
	s29 =	sshll.u32 s29, $0x7;
	s0 =	sand.u32 $0x7C000, s0  }
0x37: {  	s28 =	sand.u32 $0x7C000, s28;
	s29 =	sand.u32 $0x380, s29;
	s0 =	sor.u32 s24, s0;
	v1 =	vmul.f32 $2.500000000e-01, v1  }
0x38: {  	s31 =	sand.u32 $0x380, s31;
	s28 =	sor.u32 s24, s28;
	s0 =	sor.u32 s29, s0  }
0x39: {  	s25 =	sshll.u32 s25, $0xB;
	s28 =	sor.u32 s31, s28;
	s0 =	sor.u32 s23, s0;
	[tilespmem:s18+$0x0] =	vst v1  }
0x3a: {  	p2 =	sne.s32 s21, $0x4FF;
	s25 =	sand.u32 $0x7C000, s25;
	s28 =	sor.u32 s23, s28;
	v3 =	vld [tilespmem:s0+$0x1000]  }
0x3b: {  	s26 =	sshll.u32 s22, $0xB;
	s22 =	sshll.u32 s22, $0x7;
	s25 =	sor.u32 s24, s25;
	v4 =	vld [tilespmem:s28+$0x0]  }
.Ltmp2:
0x3c: {  	s29 =	sand.u32 $0x380, s30;
	s30 =	sand.u32 $0x3C000, s26;
	(pc) =	sbr.rel @p2 .LBB2_3-.Ltmp2, $4  }
0x3d: {  	s22 =	sand.u32 $0x380, s22;
	s24 =	sor.u32 s24, s30;
	s0 =	sor.u32 s29, s25  }
0x3e: {  	s19 =	sadd.s32 $0x10, s19;
	s31 =	sor.u32 s22, s24;
	s0 =	sor.u32 s23, s0  }
0x3f: {  	s20 =	sadd.s32 $0x80, s20;
	s22 =	rddreg [dreg:$0x3];
	v2 =	vld [tilespmem:s0+$0x2000];
	s0 =	sor.u32 s23, s31  }
0x40: {  	s18 =	sadd.s32 $0x10, s18;
	s23 =	sshrl.u32 s21, $0x5;
	s21 =	sadd.s32 $0x1, s21;
	v1 =	vld [tilespmem:s0+$0x3000];
	v3 =	vadd.f32 v3, v4  }
0x41: {  	_ =	sdelay $0x1  }
0x42: {  	s0 =	sadd.s32 s22, s23;
	s19 =	sand.u32 $0x70, s19  }
0x43: {  	s20 =	sand.u32 $0xC00, s20;
	s21 =	sadd.s32 $0x1, s0;
	s22 =	sshll.u32 s0, $0xB;
	v2 =	vadd.f32 v2, v3  }
0x44: {  	s23 =	sadd.s32 $0x3, s0;
	s24 =	sadd.s32 $0x2, s0;
	s25 =	sshll.u32 s21, $0x7  }
0x45: {  	s26 =	sshll.u32 s23, $0x7;
	s28 =	sshll.u32 s24, $0xB;
	s21 =	sshll.u32 s21, $0xB;
	v1 =	vadd.f32 v1, v2  }
0x46: {  	s23 =	sshll.u32 s23, $0xB;
	s24 =	sshll.u32 s24, $0x7;
	s28 =	sand.u32 $0x7C000, s28  }
0x47: {  	s23 =	sand.u32 $0x7C000, s23;
	s24 =	sand.u32 $0x380, s24;
	s28 =	sor.u32 s20, s28;
	v1 =	vmul.f32 $2.500000000e-01, v1  }
0x48: {  	s26 =	sand.u32 $0x380, s26;
	s23 =	sor.u32 s20, s23;
	s24 =	sor.u32 s24, s28  }
0x49: {  	s21 =	sand.u32 $0x7C000, s21;
	s23 =	sor.u32 s26, s23;
	s24 =	sor.u32 s19, s24;
	[tilespmem:s18+$0x0] =	vst v1  }
0x4a: {  	s29 =	sand.u32 $0x380, s25;
	s21 =	sor.u32 s20, s21;
	s23 =	sor.u32 s19, s23;
	v1 =	vld [tilespmem:s24+$0x1000]  }
0x4b: {  	s0 =	sshll.u32 s0, $0x7;
	s22 =	sand.u32 $0x3C000, s22;
	s21 =	sor.u32 s29, s21;
	v2 =	vld [tilespmem:s23+$0x0]  }
0x4c: {  	s0 =	sand.u32 $0x380, s0;
	s20 =	sor.u32 s20, s22;
	s21 =	sor.u32 s19, s21  }
0x4d: {  	s0 =	sor.u32 s0, s20;
	v3 =	vld [tilespmem:s21+$0x2000]  }
0x4e: {  	s0 =	sor.u32 s19, s0  }
0x4f: {  	v4 =	vld [tilespmem:s0+$0x3000]  }
0x50: {  	v1 =	vadd.f32 v1, v2;
	_ =	sdelay $0x1  }
0x51: {  	v1 =	vadd.f32 v3, v1;
	_ =	sdelay $0x1  }
0x52: {  	v1 =	vadd.f32 v4, v1  }
0x53: {  	s30 =	sshll.u32 s17, $0x9  }
0x54: {  	s16 =	sadd.s32 $0x1, s16;
	s0 =	sadd.s32 s30, s9;
	v1 =	vmul.f32 $2.500000000e-01, v1  }
0x55: {  	s31 =	sadd.s32 $0x10, s18;
	p2 =	sne.s32 s16, $0xD;
	s0 =	sshrl.u32 s0, $0x3  }
.Ltmp3:
0x56: {  	s0 =	sadd.s32 s4, s0;
	[tilespmem:s31+$0x0] =	vst v1;
	(pc) =	sbr.rel @p2 .LBB2_2-.Ltmp3, $4  }
0x57: {  	[hbm4b:s0+s2] =	stream.linear.scatter [tilespmem:s14], [sflag:$0x1], $0x5000, $0x38;
	[tilespmem:$0x1D000] =	vst v63  }
0x58: {  	_ =	swait.ge [sflag:s13], $0x5000  }
0x59: {  	[sflag:s13] =	ssyncset.done $0x0  }
0x5a: {  	[sflag:s13] =	ssyncadd.s32 $0xFFFFB000  }
.Ltmp4:
0x5b: {  	(pc) =	sbr.rel @p0 .LBB2_12-.Ltmp4, $1  }
0x5c: {  	_ =	sdelay $0x3  }
.Ltmp5:
0x5d: {  	(pc) =	sbr.rel @p1 .LBB2_18-.Ltmp5, $1  }
0x5e: {  	_ =	sdelay $0x3  }
0x5f: {  	s16 =	simm.s32 $0x0  }
0x60: {  	[tilespmem:s16], [sflag:$0x1] =	stream.linear.gather [hbm4b:s7+s16], $0x4000, $0x38;
	[tilespmem:$0x1D000] =	vst v63  }
0x61: {  	_ =	swait.ge [sflag:s13], $0x4000  }
0x62: {  	s18 =	sand.u32 $0x70, s16;
	s0 =	sand.u32 $0x400, s16;
	[sflag:s13] =	ssyncset.done $0x0  }
0x63: {  	s0 =	sor.u32 s18, s0;
	[sflag:s13] =	ssyncadd.s32 $0xFFFFC000  }
0x64: {  	v1 =	vld [tilespmem:s0+$0x1800]  }
0x65: {  	v2 =	vld [tilespmem:s0+$0x880];
	_ =	sdelay $0x4  }
0x66: {  	v1 =	vadd.f32 v1, v2;
	_ =	sdelay $0x1  }
0x67: {  	s17 =	simm.s32 $0x10;
	s20 =	simm.s32 $0x80;
	v1 =	vmul.f32 $5.000000000e-01, v1  }
0x68: {  	s19 =	simm.s32 $0x18000;
	s31 =	sand.u32 $0x70, s17;
	s21 =	sand.u32 $0x400, s20  }
0x69: {  	s22 =	sor.u32 s31, s21;
	s21 =	simm.s32 $0x20;
	[tilespmem:s19+$0x0] =	vst v1  }
.LBB2_8:
0x6a: {  	p2 =	sne.s32 s21, $0xF0;
	v1 =	vld [tilespmem:s22+$0x1800]  }
0x6b: {  	v2 =	vld [tilespmem:s22+$0x880];
	_ =	sdelay $0x4  }
.Ltmp6:
0x6c: {  	v1 =	vadd.f32 v1, v2;
	(pc) =	sbr.rel @p2 .LBB2_8-.Ltmp6, $4  }
0x6d: {  	_ = 	snop  }
0x6e: {  	s20 =	sadd.s32 $0x80, s20;
	v1 =	vmul.f32 $5.000000000e-01, v1  }
0x6f: {  	s0 =	sand.u32 $0x70, s21;
	s19 =	sadd.s32 $0x10, s19;
	s22 =	sand.u32 $0x400, s20  }
0x70: {  	s21 =	sadd.s32 $0x10, s21;
	s22 =	sor.u32 s0, s22;
	[tilespmem:s19+$0x0] =	vst v1  }
0x71: {  	v1 =	vld [tilespmem:s22+$0x1800]  }
0x72: {  	v2 =	vld [tilespmem:s22+$0x880];
	_ =	sdelay $0x4  }
0x73: {  	v1 =	vadd.f32 v1, v2;
	_ =	sdelay $0x1  }
0x74: {  	v1 =	vmul.f32 $5.000000000e-01, v1  }
0x75: {  	s0 =	sadd.s32 $0x10, s19;
	s31 =	sand.u32 $0xC00, s16  }
0x76: {  	s19 =	sor.u32 s18, s31;
	s18 =	simm.s32 $0x0;
	[tilespmem:s0+$0x0] =	vst v1  }
.LBB2_10:
0x77: {  	p2 =	seq.s32 s17, $0x1F0;
	v1 =	vld [tilespmem:s19+$0x1080]  }
0x78: {  	v2 =	vld [tilespmem:s19+$0x100];
	_ =	sdelay $0x1  }
0x79: {  	v3 =	vld [tilespmem:s19+$0x2000];
	_ =	sdelay $0x2  }
0x7a: {  	v1 =	vadd.f32 v1, v2;
	_ =	sdelay $0x1  }
.Ltmp7:
0x7b: {  	v1 =	vadd.f32 v3, v1;
	(pc) =	sbr.rel @!p2 .LBB2_10-.Ltmp7, $4  }
0x7c: {  	_ = 	snop  }
0x7d: {  	s16 =	sadd.s32 $0x80, s16;
	v1 =	vmul.f32 v1, v0  }
0x7e: {  	s0 =	sand.u32 $0x70, s17;
	s18 =	sand.u32 $0x1F0, s18;
	s19 =	sand.u32 $0xC00, s16  }
0x7f: {  	s19 =	sor.u32 s0, s19;
	[tilespmem:s18+$0x18100] =	vst v1;
	s18 =	smov.u32 s17;
	s17 =	sadd.s32 $0x10, s17  }
0x80: {  	v1 =	vld [tilespmem:s19+$0x1080]  }
0x81: {  	v2 =	vld [tilespmem:s19+$0x100];
	_ =	sdelay $0x1  }
0x82: {  	v3 =	vld [tilespmem:s19+$0x2000];
	_ =	sdelay $0x2  }
0x83: {  	v1 =	vadd.f32 v1, v2;
	_ =	sdelay $0x1  }
.Ltmp8:
0x84: {  	v1 =	vadd.f32 v3, v1;
	(pc) =	sbr.rel .LBB2_17-.Ltmp8, $4  }
0x85: {  	_ = 	snop  }
0x86: {  	v1 =	vmul.f32 v1, v0  }
0x87: {  	s0 =	sand.u32 $0x1F0, s18  }
0x88: {  	s16 =	smov.u32 s8;
	[tilespmem:s0+$0x18100] =	vst v1  }
.LBB2_12:
0x89: {  	s16 =	simm.s32 $0x0  }
0x8a: {  	[tilespmem:s16], [sflag:$0x1] =	stream.linear.gather [hbm4b:s10+s16], $0x4000, $0x38;
	[tilespmem:$0x1D000] =	vst v63  }
0x8b: {  	_ =	swait.ge [sflag:s13], $0x4000  }
0x8c: {  	s18 =	sand.u32 $0x70, s16;
	s0 =	sand.u32 $0xC00, s16;
	[sflag:s13] =	ssyncset.done $0x0  }
0x8d: {  	s0 =	sor.u32 s18, s0;
	[sflag:s13] =	ssyncadd.s32 $0xFFFFC000  }
0x8e: {  	v1 =	vld [tilespmem:s0+$0x2300]  }
0x8f: {  	v2 =	vld [tilespmem:s0+$0x1380];
	_ =	sdelay $0x1  }
0x90: {  	v3 =	vld [tilespmem:s0+$0x3280];
	_ =	sdelay $0x2  }
0x91: {  	v1 =	vadd.f32 v1, v2;
	_ =	sdelay $0x1  }
0x92: {  	v1 =	vadd.f32 v3, v1;
	_ =	sdelay $0x1  }
0x93: {  	s17 =	simm.s32 $0x10;
	s20 =	simm.s32 $0x80;
	v1 =	vmul.f32 v1, v0  }
0x94: {  	s19 =	simm.s32 $0x18000;
	s31 =	sand.u32 $0x70, s17;
	s21 =	sand.u32 $0xC00, s20  }
0x95: {  	s22 =	sor.u32 s31, s21;
	s21 =	simm.s32 $0x20;
	[tilespmem:s19+$0x0] =	vst v1  }
.LBB2_13:
0x96: {  	p2 =	sne.s32 s21, $0x1F0;
	v1 =	vld [tilespmem:s22+$0x2300]  }
0x97: {  	v2 =	vld [tilespmem:s22+$0x1380];
	_ =	sdelay $0x1  }
0x98: {  	v3 =	vld [tilespmem:s22+$0x3280];
	_ =	sdelay $0x2  }
0x99: {  	v1 =	vadd.f32 v1, v2;
	_ =	sdelay $0x1  }
.Ltmp9:
0x9a: {  	v1 =	vadd.f32 v3, v1;
	(pc) =	sbr.rel @p2 .LBB2_13-.Ltmp9, $4  }
0x9b: {  	_ = 	snop  }
0x9c: {  	s20 =	sadd.s32 $0x80, s20;
	v1 =	vmul.f32 v1, v0  }
0x9d: {  	s0 =	sand.u32 $0x70, s21;
	s19 =	sadd.s32 $0x10, s19;
	s22 =	sand.u32 $0xC00, s20  }
0x9e: {  	s21 =	sadd.s32 $0x10, s21;
	s22 =	sor.u32 s0, s22;
	[tilespmem:s19+$0x0] =	vst v1  }
0x9f: {  	v1 =	vld [tilespmem:s22+$0x2300]  }
0xa0: {  	v2 =	vld [tilespmem:s22+$0x1380];
	_ =	sdelay $0x1  }
0xa1: {  	v3 =	vld [tilespmem:s22+$0x3280];
	_ =	sdelay $0x2  }
0xa2: {  	v1 =	vadd.f32 v1, v2;
	_ =	sdelay $0x1  }
0xa3: {  	v1 =	vadd.f32 v3, v1;
	_ =	sdelay $0x1  }
0xa4: {  	v1 =	vmul.f32 v1, v0  }
0xa5: {  	s0 =	sadd.s32 $0x10, s19;
	s31 =	sand.u32 $0x400, s16  }
0xa6: {  	s19 =	sor.u32 s18, s31;
	s18 =	simm.s32 $0x0;
	[tilespmem:s0+$0x0] =	vst v1  }
.LBB2_15:
0xa7: {  	p2 =	sne.s32 s17, $0xF0;
	v1 =	vld [tilespmem:s19+$0x3300]  }
0xa8: {  	v2 =	vld [tilespmem:s19+$0x2380];
	_ =	sdelay $0x4  }
.Ltmp10:
0xa9: {  	v1 =	vadd.f32 v1, v2;
	(pc) =	sbr.rel @p2 .LBB2_15-.Ltmp10, $4  }
0xaa: {  	_ = 	snop  }
0xab: {  	s16 =	sadd.s32 $0x80, s16;
	v1 =	vmul.f32 $5.000000000e-01, v1  }
0xac: {  	s0 =	sand.u32 $0x70, s17;
	s18 =	sand.u32 $0xF0, s18;
	s19 =	sand.u32 $0x400, s16  }
0xad: {  	s19 =	sor.u32 s0, s19;
	[tilespmem:s18+$0x18200] =	vst v1;
	s18 =	smov.u32 s17;
	s17 =	sadd.s32 $0x10, s17  }
0xae: {  	v1 =	vld [tilespmem:s19+$0x3300]  }
0xaf: {  	v2 =	vld [tilespmem:s19+$0x2380];
	_ =	sdelay $0x4  }
.Ltmp11:
0xb0: {  	v1 =	vadd.f32 v1, v2;
	(pc) =	sbr.rel .LBB2_17-.Ltmp11, $4  }
0xb1: {  	_ = 	snop  }
0xb2: {  	v1 =	vmul.f32 $5.000000000e-01, v1  }
0xb3: {  	s0 =	sand.u32 $0xF0, s18  }
0xb4: {  	s16 =	smov.u32 s11;
	[tilespmem:s0+$0x18200] =	vst v1  }
.LBB2_19:
0xb5: {  	_ =	sfence.sel $0x180000  }
0xb6: {  	[bflag:$0x0] =	sbarrier.arrive $0xFFFF  }
0xb7: {  	_ =	strace $0x90000047  }
0xb8: {  	[bflag:$0x2] =	sbarrier.arrive $0xFFFF  }
0xb9: {  	p0 =	sne.s32 s3, $0x0;
	s0 =	rddreg [dreg:$0x2]  }
0xba: {  	s0 =	sadd.s32 @!p0 $0x100000, s0  }
0xbb: {  	[sflag:s0] =	ssyncadd.tile.s32 @!p0 $0x1;
	_ =	shalt  }
.Lfunc_end2:
_tile_overlayer_lowered:
.L_overlay_start_2:
0xbc: {  	(tag) =	ssettag $0x2  }
0xbd: {  	s0 =	rddreg [dreg:$0x0];
	s2 =	stileid.u32  }
0xbe: {  	s1 =	rddreg [dreg:$0x1];
	p0 =	sne.s32 s2, $0x0  }
0xbf: {  	s3 =	rddreg [dreg:$0x2];
	[bflag:$0x3] =	sbarrier.arrive $0xFFFF;
	s2 =	simm.s32 @!p0 $0x1C01  }
0xc0: {  	[timem:s3], [sflag:s2] =	dma.local @!p0 [hbm:s0], s1  }
0xc1: {  	s0 =	simm.s32 @!p0 $0x1  }
0xc2: {  	_ =	swait.ge @!p0 [sflag:s0], s1  }
0xc3: {  	s1 =	ssub.s32 @!p0 $0x0, s1;
	[sflag:s0] =	ssyncset.done @!p0 $0x0  }
0xc4: {  	[sflag:s0] =	ssyncadd.s32 @!p0 s1  }
0xc5: {  	[bflag:$0x3] =	sbarrier.arrive $0xFFFF  }
0xc6: {  	_ =	shalt  }

</sc_bundles>
